<compile_context>
chip_gen: v7x
topology: tpu7x:2x2x1
jax: 0.10.2.dev20260603
libtpu: 0.0.44.dev20260713+nightly
codegen_flags: <defaults>
</compile_context>

<pallas_src>
import functools

import jax
import jax.numpy as jnp
from jax import lax
from jax.experimental import pallas as pl
from jax.experimental.pallas import tpu as pltpu
from jax.experimental.pallas import tpu_sc as plsc

_L = 16
_R = 128


def _dataset_params_sc(n_rows, batch):
    nw = 32
    bpw = batch // nw
    ch = bpw // _L

    mesh = plsc.VectorSubcoreMesh(core_axis_name="c", subcore_axis_name="s")

    @functools.partial(
        pl.kernel,
        mesh=mesh,
        out_type=(
            jax.ShapeDtypeStruct((batch,), jnp.float32),
            jax.ShapeDtypeStruct((batch,), jnp.float32),
            jax.ShapeDtypeStruct((batch,), jnp.float32),
        ),
        scratch_types=[
            pltpu.VMEM((bpw,), jnp.int32),
            pltpu.VMEM((bpw,), jnp.int32),
            pltpu.VMEM((bpw,), jnp.int32),
            pltpu.VMEM((bpw,), jnp.int32),
            pltpu.VMEM((bpw,), jnp.float32),
            pltpu.VMEM((bpw,), jnp.float32),
            pltpu.VMEM((bpw,), jnp.float32),
            pltpu.VMEM((bpw,), jnp.float32),
            pltpu.SemaphoreType.DMA,
            pltpu.SemaphoreType.DMA,
            pltpu.SemaphoreType.DMA,
        ],
    )
    def k(ind_hbm, xt_hbm, xs_hbm, out0_hbm, out1_hbm, outs_hbm,
          ind_v, p0_v, p1_v, idx_v, sign_v, t0_v, t1_v, s_v,
          sem0, sem1, sem2):
        wid = lax.axis_index("s") * 2 + lax.axis_index("c")
        base = wid * bpw

        pltpu.sync_copy(ind_hbm.at[pl.ds(base, bpw)], ind_v)

        def stage(j, carry):
            sl = pl.ds(j * _L, _L)
            v = ind_v[sl]
            w = v >= n_rows
            idx = jnp.where(w, v - n_rows, v)
            p0 = lax.shift_left(
                lax.shift_right_logical(idx, 7), 8) + (idx & (_R - 1))
            idx_v[sl] = idx
            p0_v[sl] = p0
            p1_v[sl] = p0 + _R
            sign_v[sl] = jnp.where(w, jnp.float32(-1.0), jnp.float32(1.0))
            return carry

        lax.fori_loop(0, ch, stage, 0)

        c0 = pltpu.async_copy(xt_hbm.at[p0_v], t0_v, sem0)
        c1 = pltpu.async_copy(xt_hbm.at[p1_v], t1_v, sem1)
        c2 = pltpu.async_copy(xs_hbm.at[idx_v], s_v, sem2)
        c0.wait()

        def smul(j, carry):
            sl = pl.ds(j * _L, _L)
            t0_v[sl] = t0_v[sl] * sign_v[sl]
            return carry

        lax.fori_loop(0, ch, smul, 0)

        pltpu.sync_copy(t0_v, out0_hbm.at[pl.ds(base, bpw)])
        c1.wait()
        pltpu.sync_copy(t1_v, out1_hbm.at[pl.ds(base, bpw)])
        c2.wait()
        pltpu.sync_copy(s_v, outs_hbm.at[pl.ds(base, bpw)])

    return k


def kernel(indices, ds_translation, ds_scale):
    n_rows = ds_translation.shape[0]
    batch = indices.shape[0]
    n_pad = -(-n_rows // 1024) * 1024
    pad_rows = n_pad - n_rows
    n_tiles = n_pad // _R

    xt = jnp.pad(ds_translation, ((0, pad_rows), (0, 0))) \
        .reshape(n_tiles, _R, 2).transpose(0, 2, 1).reshape(-1)
    xs = jnp.pad(ds_scale, ((0, pad_rows), (0, 0))).reshape(-1)

    k = _dataset_params_sc(n_rows, batch)
    t0s, t1, s = k(indices.astype(jnp.int32), xt, xs)

    translation_delta = jnp.stack([t0s, t1, jnp.zeros_like(t0s)], axis=1)
    return (translation_delta, s.reshape(batch, 1))

# --- scband reference (transcript-rebuilt; emitter-appended) ---
"""Pipeline reference for scband-dataset-params-4690104287788 (READ-ONLY COPY).

The authoritative reference and input builder live on the scoring server;
editing this copy changes nothing except your own understanding.
"""

import jax, jax.numpy as jnp
import numpy as np

DATASET_SIZE = 1000000
BATCH = 16384


def setup_inputs(seed: int = 0) -> dict:
    key = jax.random.key(seed)
    k1, k2, k3 = jax.random.split(key, 3)
    # indices may range over [0, 2*dataset_size) because the module uses
    # indices // dataset_size as a sign bit and indices % dataset_size as the row id
    indices = jax.random.randint(k1, (BATCH,), 0, 2 * DATASET_SIZE)
    # learned parameters (torch init is zeros/ones; use small random values so the
    # reference exercises nontrivial math, matching the trained-parameter case)
    ds_translation = jax.random.normal(k2, (DATASET_SIZE, 2), dtype=jnp.float32) * 0.02
    ds_scale = jax.random.normal(k3, (DATASET_SIZE, 1), dtype=jnp.float32) * 0.02
    return {"indices": indices, "ds_translation": ds_translation, "ds_scale": ds_scale}


def reference(indices, ds_translation, ds_scale):
    # mode == 'deltas' branch of DatasetParams.forward with indices is not None
    n = ds_translation.shape[0]
    x_sign = (1 - 2 * (indices // n)).astype(jnp.float32)[:, None]
    idx = indices % n
    td = jnp.take(ds_translation, idx, axis=0)  # [B, 2] gather
    translation_delta = jnp.concatenate(
        [td[:, :1] * x_sign, td[:, 1:2], jnp.zeros_like(td[:, :1])], axis=1
    )  # [B, 3]
    scale_delta = jnp.take(ds_scale, idx, axis=0)  # [B, 1] gather
    return (translation_delta, scale_delta)

if __name__ == "__main__":
    import jax
    _d = setup_inputs()
    print(jax.jit(kernel)(*tuple(_d.values())))

</pallas_src>

<mosaic_0001>
#map = affine_map<(d0, d1) -> (0)>
module attributes {stable_mosaic.version = 14 : i64} {
  func.func @k(%arg0: i32, %arg1: i32, %arg2: memref<16384xi32, #tpu.memory_space<hbm>>, %arg3: memref<2000896xf32, #tpu.memory_space<hbm>>, %arg4: memref<1000448xf32, #tpu.memory_space<hbm>>, %arg5: memref<16384xf32, #tpu.memory_space<hbm>>, %arg6: memref<16384xf32, #tpu.memory_space<hbm>>, %arg7: memref<16384xf32, #tpu.memory_space<hbm>>, %arg8: memref<512xi32, #tpu.memory_space<vmem>>, %arg9: memref<512xi32, #tpu.memory_space<vmem>>, %arg10: memref<512xi32, #tpu.memory_space<vmem>>, %arg11: memref<512xi32, #tpu.memory_space<vmem>>, %arg12: memref<512xf32, #tpu.memory_space<vmem>>, %arg13: memref<512xf32, #tpu.memory_space<vmem>>, %arg14: memref<512xf32, #tpu.memory_space<vmem>>, %arg15: memref<512xf32, #tpu.memory_space<vmem>>, %arg16: memref<!tpu.dma_semaphore, #tpu.memory_space<semaphore_mem>>, %arg17: memref<!tpu.dma_semaphore, #tpu.memory_space<semaphore_mem>>, %arg18: memref<!tpu.dma_semaphore, #tpu.memory_space<semaphore_mem>>) attributes {dimension_semantics = [#tpu.dimension_semantics<core_parallel>, #tpu.dimension_semantics<subcore_parallel>], iteration_bounds = array<i64: 2, 16>, scalar_prefetch = 0 : i64, scratch_operands = 11 : i64, tpu.core_type = #tpu.core_type<sc_vector_subcore>, window_params = [{transform_indices = #map}, {transform_indices = #map}, {transform_indices = #map}, {transform_indices = #map}, {transform_indices = #map}, {transform_indices = #map}]} {
    %mul3A = arith.constant 2 : i32
    %mul3A_0 = arith.muli %arg1, %mul3A : i32
    %add3A = arith.addi %mul3A_0, %arg0 : i32
    %mul3A_1 = arith.constant 512 : i32
    %mul3A_2 = arith.muli %add3A, %mul3A_1 : i32
    "tpu.region"() ({
      %run_scoped3A = tpu.sem_alloc : memref<!tpu.dma_semaphore, #tpu.memory_space<semaphore_mem>>
      %dma_start3A_24 = tpu.memref_slice %arg2[%mul3A_2] : memref<16384xi32, #tpu.memory_space<hbm>> -> memref<512xi32, #tpu.memory_space<hbm>>
      %dma_start3A_25 = tpu.memref_slice %arg2[%mul3A_2] : memref<16384xi32, #tpu.memory_space<hbm>> -> memref<512xi32, #tpu.memory_space<hbm>>
      tpu.enqueue_dma source(%dma_start3A_25 : memref<512xi32, #tpu.memory_space<hbm>>) target(%arg8 : memref<512xi32, #tpu.memory_space<vmem>>) target_semaphore(%run_scoped3A : memref<!tpu.dma_semaphore, #tpu.memory_space<semaphore_mem>>)
      %dma_wait3A_26 = tpu.memref_slice %arg2[%mul3A_2] : memref<16384xi32, #tpu.memory_space<hbm>> -> memref<512xi32, #tpu.memory_space<hbm>>
      %dma_wait3A_27 = tpu.memref_slice %arg2[%mul3A_2] : memref<16384xi32, #tpu.memory_space<hbm>> -> memref<512xi32, #tpu.memory_space<hbm>>
      tpu.wait_dma2 semaphore(%run_scoped3A : memref<!tpu.dma_semaphore, #tpu.memory_space<semaphore_mem>>) src(%dma_wait3A_27 : memref<512xi32, #tpu.memory_space<hbm>>) dst(%arg8 : memref<512xi32, #tpu.memory_space<vmem>>)
      tpu.yield
    }) : () -> ()
    %scan3A = arith.constant 0 : i32
    %scan3A_3 = arith.constant 0 : i32
    %scan3A_4 = arith.constant 32 : i32
    %scan3A_5 = arith.addi %scan3A_3, %scan3A_4 : i32
    %scan3A_6 = arith.constant 1 : i32
    scf.for %scan3A_24 = %scan3A_3 to %scan3A_5 step %scan3A_6  : i32 {
      %mul3A_25 = arith.constant 16 : i32
      %mul3A_26 = arith.muli %scan3A_24, %mul3A_25 : i32
      %get3A = arith.index_cast %mul3A_26 : i32 to index
      %get3A_27 = tpu.vector_load %arg8[%get3A] {strides = array<i32>} : memref<512xi32, #tpu.memory_space<vmem>>, vector<16xi32>,
      %get3A_28 = vector.shape_cast %get3A_27 : vector<16xi32> to vector<16xi32>
      %ge3A = arith.constant 1000000 : i32
      %ge3A_29 = vector.broadcast %ge3A : i32 to vector<16xi32>
      %ge3A_30 = arith.cmpi sge, %get3A_28, %ge3A_29 : vector<16xi32>
      %sub3A = arith.constant 1000000 : i32
      %sub3A_31 = vector.broadcast %sub3A : i32 to vector<16xi32>
      %sub3A_32 = arith.subi %get3A_28, %sub3A_31 : vector<16xi32>
      %select_n3A = arith.select %ge3A_30, %sub3A_32, %get3A_28 : vector<16xi1>, vector<16xi32>
      %shift_right_logical3A = arith.constant 7 : i32
      %shift_right_logical3A_33 = vector.broadcast %shift_right_logical3A : i32 to vector<16xi32>
      %shift_right_logical3A_34 = arith.shrui %select_n3A, %shift_right_logical3A_33 : vector<16xi32>
      %shift_left3A = arith.constant 8 : i32
      %shift_left3A_35 = vector.broadcast %shift_left3A : i32 to vector<16xi32>
      %shift_left3A_36 = arith.shli %shift_right_logical3A_34, %shift_left3A_35 : vector<16xi32>
      %and3A = arith.constant 127 : i32
      %and3A_37 = vector.broadcast %and3A : i32 to vector<16xi32>
      %and3A_38 = arith.andi %select_n3A, %and3A_37 : vector<16xi32>
      %add3A_39 = arith.addi %shift_left3A_36, %and3A_38 : vector<16xi32>
      %swap3A = arith.index_cast %mul3A_26 : i32 to index
      %swap3A_40 = tpu.vector_load %arg11[%swap3A] {strides = array<i32>} : memref<512xi32, #tpu.memory_space<vmem>>, vector<16xi32>,
      %swap3A_41 = vector.shape_cast %swap3A_40 : vector<16xi32> to vector<16xi32>
      %swap3A_42 = vector.shape_cast %select_n3A : vector<16xi32> to vector<16xi32>
      tpu.vector_store %arg11[%swap3A], %swap3A_42 {strides = array<i32>} : memref<512xi32, #tpu.memory_space<vmem>>, vector<16xi32>,
      %swap3A_43 = arith.index_cast %mul3A_26 : i32 to index
      %swap3A_44 = tpu.vector_load %arg9[%swap3A_43] {strides = array<i32>} : memref<512xi32, #tpu.memory_space<vmem>>, vector<16xi32>,
      %swap3A_45 = vector.shape_cast %swap3A_44 : vector<16xi32> to vector<16xi32>
      %swap3A_46 = vector.shape_cast %add3A_39 : vector<16xi32> to vector<16xi32>
      tpu.vector_store %arg9[%swap3A_43], %swap3A_46 {strides = array<i32>} : memref<512xi32, #tpu.memory_space<vmem>>, vector<16xi32>,
      %add3A_47 = arith.constant 128 : i32
      %add3A_48 = vector.broadcast %add3A_47 : i32 to vector<16xi32>
      %add3A_49 = arith.addi %add3A_39, %add3A_48 : vector<16xi32>
      %swap3A_50 = arith.index_cast %mul3A_26 : i32 to index
      %swap3A_51 = tpu.vector_load %arg10[%swap3A_50] {strides = array<i32>} : memref<512xi32, #tpu.memory_space<vmem>>, vector<16xi32>,
      %swap3A_52 = vector.shape_cast %swap3A_51 : vector<16xi32> to vector<16xi32>
      %swap3A_53 = vector.shape_cast %add3A_49 : vector<16xi32> to vector<16xi32>
      tpu.vector_store %arg10[%swap3A_50], %swap3A_53 {strides = array<i32>} : memref<512xi32, #tpu.memory_space<vmem>>, vector<16xi32>,
      %jit3A = arith.constant -1.000000e+00 : f32
      %jit3A_54 = arith.constant 1.000000e+00 : f32
      %broadcast_in_dim3A = vector.broadcast %jit3A : f32 to vector<16xf32>
      %broadcast_in_dim3A_55 = vector.broadcast %jit3A_54 : f32 to vector<16xf32>
      %select_n3A_56 = arith.select %ge3A_30, %broadcast_in_dim3A, %broadcast_in_dim3A_55 : vector<16xi1>, vector<16xf32>
      %swap3A_57 = arith.index_cast %mul3A_26 : i32 to index
      %swap3A_58 = tpu.vector_load %arg12[%swap3A_57] {strides = array<i32>} : memref<512xf32, #tpu.memory_space<vmem>>, vector<16xf32>,
      %swap3A_59 = vector.shape_cast %swap3A_58 : vector<16xf32> to vector<16xf32>
      %swap3A_60 = vector.shape_cast %select_n3A_56 : vector<16xf32> to vector<16xf32>
      tpu.vector_store %arg12[%swap3A_57], %swap3A_60 {strides = array<i32>} : memref<512xf32, #tpu.memory_space<vmem>>, vector<16xf32>,
    }
    %scan3A_7 = arith.constant 32 : i32
    %dma_start3A = arith.constant 0 : i32
    %dma_start3A_8 = tpu.memref_slice %arg3[%dma_start3A] : memref<2000896xf32, #tpu.memory_space<hbm>> -> memref<2000896xf32, #tpu.memory_space<hbm>>
    tpu.enqueue_indirect_dma source(%dma_start3A_8 : memref<2000896xf32, #tpu.memory_space<hbm>>) target(%arg13 : memref<512xf32, #tpu.memory_space<vmem>>) offsets(%arg9 : memref<512xi32, #tpu.memory_space<vmem>>) semaphore(%arg16 : memref<!tpu.dma_semaphore, #tpu.memory_space<semaphore_mem>>)
    %dma_start3A_9 = arith.constant 0 : i32
    %dma_start3A_10 = tpu.memref_slice %arg3[%dma_start3A_9] : memref<2000896xf32, #tpu.memory_space<hbm>> -> memref<2000896xf32, #tpu.memory_space<hbm>>
    tpu.enqueue_indirect_dma source(%dma_start3A_10 : memref<2000896xf32, #tpu.memory_space<hbm>>) target(%arg14 : memref<512xf32, #tpu.memory_space<vmem>>) offsets(%arg10 : memref<512xi32, #tpu.memory_space<vmem>>) semaphore(%arg17 : memref<!tpu.dma_semaphore, #tpu.memory_space<semaphore_mem>>)
    %dma_start3A_11 = arith.constant 0 : i32
    %dma_start3A_12 = tpu.memref_slice %arg4[%dma_start3A_11] : memref<1000448xf32, #tpu.memory_space<hbm>> -> memref<1000448xf32, #tpu.memory_space<hbm>>
    tpu.enqueue_indirect_dma source(%dma_start3A_12 : memref<1000448xf32, #tpu.memory_space<hbm>>) target(%arg15 : memref<512xf32, #tpu.memory_space<vmem>>) offsets(%arg11 : memref<512xi32, #tpu.memory_space<vmem>>) semaphore(%arg18 : memref<!tpu.dma_semaphore, #tpu.memory_space<semaphore_mem>>)
    %dma_wait3A = arith.constant 0 : i32
    %dma_wait3A_13 = tpu.memref_slice %arg3[%dma_wait3A] : memref<2000896xf32, #tpu.memory_space<hbm>> -> memref<2000896xf32, #tpu.memory_space<hbm>>
    tpu.wait_indirect_dma semaphore(%arg16 : memref<!tpu.dma_semaphore, #tpu.memory_space<semaphore_mem>>) src(%dma_wait3A_13 : memref<2000896xf32, #tpu.memory_space<hbm>>) dst(%arg13 : memref<512xf32, #tpu.memory_space<vmem>>)
    %scan3A_14 = arith.constant 0 : i32
    %scan3A_15 = arith.constant 0 : i32
    %scan3A_16 = arith.constant 32 : i32
    %scan3A_17 = arith.addi %scan3A_15, %scan3A_16 : i32
    %scan3A_18 = arith.constant 1 : i32
    scf.for %scan3A_24 = %scan3A_15 to %scan3A_17 step %scan3A_18  : i32 {
      %mul3A_25 = arith.constant 16 : i32
      %mul3A_26 = arith.muli %scan3A_24, %mul3A_25 : i32
      %get3A = arith.index_cast %mul3A_26 : i32 to index
      %get3A_27 = tpu.vector_load %arg13[%get3A] {strides = array<i32>} : memref<512xf32, #tpu.memory_space<vmem>>, vector<16xf32>,
      %get3A_28 = vector.shape_cast %get3A_27 : vector<16xf32> to vector<16xf32>
      %get3A_29 = arith.index_cast %mul3A_26 : i32 to index
      %get3A_30 = tpu.vector_load %arg12[%get3A_29] {strides = array<i32>} : memref<512xf32, #tpu.memory_space<vmem>>, vector<16xf32>,
      %get3A_31 = vector.shape_cast %get3A_30 : vector<16xf32> to vector<16xf32>
      %mul3A_32 = arith.mulf %get3A_28, %get3A_31 : vector<16xf32>
      %swap3A = arith.index_cast %mul3A_26 : i32 to index
      %swap3A_33 = tpu.vector_load %arg13[%swap3A] {strides = array<i32>} : memref<512xf32, #tpu.memory_space<vmem>>, vector<16xf32>,
      %swap3A_34 = vector.shape_cast %swap3A_33 : vector<16xf32> to vector<16xf32>
      %swap3A_35 = vector.shape_cast %mul3A_32 : vector<16xf32> to vector<16xf32>
      tpu.vector_store %arg13[%swap3A], %swap3A_35 {strides = array<i32>} : memref<512xf32, #tpu.memory_space<vmem>>, vector<16xf32>,
    }
    %scan3A_19 = arith.constant 32 : i32
    "tpu.region"() ({
      %run_scoped3A = tpu.sem_alloc : memref<!tpu.dma_semaphore, #tpu.memory_space<semaphore_mem>>
      %dma_start3A_24 = tpu.memref_slice %arg5[%mul3A_2] : memref<16384xf32, #tpu.memory_space<hbm>> -> memref<512xf32, #tpu.memory_space<hbm>>
      %dma_start3A_25 = tpu.memref_slice %arg5[%mul3A_2] : memref<16384xf32, #tpu.memory_space<hbm>> -> memref<512xf32, #tpu.memory_space<hbm>>
      tpu.enqueue_dma source(%arg13 : memref<512xf32, #tpu.memory_space<vmem>>) target(%dma_start3A_25 : memref<512xf32, #tpu.memory_space<hbm>>) target_semaphore(%run_scoped3A : memref<!tpu.dma_semaphore, #tpu.memory_space<semaphore_mem>>)
      %dma_wait3A_26 = tpu.memref_slice %arg5[%mul3A_2] : memref<16384xf32, #tpu.memory_space<hbm>> -> memref<512xf32, #tpu.memory_space<hbm>>
      %dma_wait3A_27 = tpu.memref_slice %arg5[%mul3A_2] : memref<16384xf32, #tpu.memory_space<hbm>> -> memref<512xf32, #tpu.memory_space<hbm>>
      tpu.wait_dma2 semaphore(%run_scoped3A : memref<!tpu.dma_semaphore, #tpu.memory_space<semaphore_mem>>) src(%arg13 : memref<512xf32, #tpu.memory_space<vmem>>) dst(%dma_wait3A_27 : memref<512xf32, #tpu.memory_space<hbm>>)
      tpu.yield
    }) : () -> ()
    %dma_wait3A_20 = arith.constant 0 : i32
    %dma_wait3A_21 = tpu.memref_slice %arg3[%dma_wait3A_20] : memref<2000896xf32, #tpu.memory_space<hbm>> -> memref<2000896xf32, #tpu.memory_space<hbm>>
    tpu.wait_indirect_dma semaphore(%arg17 : memref<!tpu.dma_semaphore, #tpu.memory_space<semaphore_mem>>) src(%dma_wait3A_21 : memref<2000896xf32, #tpu.memory_space<hbm>>) dst(%arg14 : memref<512xf32, #tpu.memory_space<vmem>>)
    "tpu.region"() ({
      %run_scoped3A = tpu.sem_alloc : memref<!tpu.dma_semaphore, #tpu.memory_space<semaphore_mem>>
      %dma_start3A_24 = tpu.memref_slice %arg6[%mul3A_2] : memref<16384xf32, #tpu.memory_space<hbm>> -> memref<512xf32, #tpu.memory_space<hbm>>
      %dma_start3A_25 = tpu.memref_slice %arg6[%mul3A_2] : memref<16384xf32, #tpu.memory_space<hbm>> -> memref<512xf32, #tpu.memory_space<hbm>>
      tpu.enqueue_dma source(%arg14 : memref<512xf32, #tpu.memory_space<vmem>>) target(%dma_start3A_25 : memref<512xf32, #tpu.memory_space<hbm>>) target_semaphore(%run_scoped3A : memref<!tpu.dma_semaphore, #tpu.memory_space<semaphore_mem>>)
      %dma_wait3A_26 = tpu.memref_slice %arg6[%mul3A_2] : memref<16384xf32, #tpu.memory_space<hbm>> -> memref<512xf32, #tpu.memory_space<hbm>>
      %dma_wait3A_27 = tpu.memref_slice %arg6[%mul3A_2] : memref<16384xf32, #tpu.memory_space<hbm>> -> memref<512xf32, #tpu.memory_space<hbm>>
      tpu.wait_dma2 semaphore(%run_scoped3A : memref<!tpu.dma_semaphore, #tpu.memory_space<semaphore_mem>>) src(%arg14 : memref<512xf32, #tpu.memory_space<vmem>>) dst(%dma_wait3A_27 : memref<512xf32, #tpu.memory_space<hbm>>)
      tpu.yield
    }) : () -> ()
    %dma_wait3A_22 = arith.constant 0 : i32
    %dma_wait3A_23 = tpu.memref_slice %arg4[%dma_wait3A_22] : memref<1000448xf32, #tpu.memory_space<hbm>> -> memref<1000448xf32, #tpu.memory_space<hbm>>
    tpu.wait_indirect_dma semaphore(%arg18 : memref<!tpu.dma_semaphore, #tpu.memory_space<semaphore_mem>>) src(%dma_wait3A_23 : memref<1000448xf32, #tpu.memory_space<hbm>>) dst(%arg15 : memref<512xf32, #tpu.memory_space<vmem>>)
    "tpu.region"() ({
      %run_scoped3A = tpu.sem_alloc : memref<!tpu.dma_semaphore, #tpu.memory_space<semaphore_mem>>
      %dma_start3A_24 = tpu.memref_slice %arg7[%mul3A_2] : memref<16384xf32, #tpu.memory_space<hbm>> -> memref<512xf32, #tpu.memory_space<hbm>>
      %dma_start3A_25 = tpu.memref_slice %arg7[%mul3A_2] : memref<16384xf32, #tpu.memory_space<hbm>> -> memref<512xf32, #tpu.memory_space<hbm>>
      tpu.enqueue_dma source(%arg15 : memref<512xf32, #tpu.memory_space<vmem>>) target(%dma_start3A_25 : memref<512xf32, #tpu.memory_space<hbm>>) target_semaphore(%run_scoped3A : memref<!tpu.dma_semaphore, #tpu.memory_space<semaphore_mem>>)
      %dma_wait3A_26 = tpu.memref_slice %arg7[%mul3A_2] : memref<16384xf32, #tpu.memory_space<hbm>> -> memref<512xf32, #tpu.memory_space<hbm>>
      %dma_wait3A_27 = tpu.memref_slice %arg7[%mul3A_2] : memref<16384xf32, #tpu.memory_space<hbm>> -> memref<512xf32, #tpu.memory_space<hbm>>
      tpu.wait_dma2 semaphore(%run_scoped3A : memref<!tpu.dma_semaphore, #tpu.memory_space<semaphore_mem>>) src(%arg15 : memref<512xf32, #tpu.memory_space<vmem>>) dst(%dma_wait3A_27 : memref<512xf32, #tpu.memory_space<hbm>>)
      tpu.yield
    }) : () -> ()
    return
  }
}

</mosaic_0001>

<sc_bundles>
// kernel: kernel.3.cloned.1.call-start
scs
__scs_entry_jumppad:
0x0: {  	(pc) =	sbr.rel $0x88, $3  }
0x1: {  	(tag) =	ssettag $0x0;
	lr =	simm.s32 $0x1  }
0x2: {  	[smem:$0x3F9E] =	sst lr;
	_ =	strace $0xD0000000  }
0x3: {  	_ = 	snop  }
0x4: {  	_ = 	snop  }
0x5: {  	_ = 	snop  }
0x6: {  	_ = 	snop  }
0x7: {  	_ = 	snop  }
__scs_overlays_trampoline_lowered:
0x8: {  	[smem:$0x3FAD] =	sst s0  }
0x9: {  	[smem:$0x3FAE] =	sst s1  }
0xa: {  	[smem:$0x3FAF] =	sst s2  }
0xb: {  	[smem:$0x3FB0] =	sst s3  }
0xc: {  	[smem:$0x3FB1] =	sst s4  }
0xd: {  	[smem:$0x3FB2] =	sst s5  }
0xe: {  	[smem:$0x3FB3] =	sst s6  }
0xf: {  	[smem:$0x3FB4] =	sst s7  }
0x10: {  	[smem:$0x3FB5] =	sst s8  }
0x11: {  	[smem:$0x3FB6] =	sst s9;
	s0 =	simm.s32 @!p0 $0x0  }
0x12: {  	s1 =	sld [smem:$0x3F9C];
	s0 =	simm.s32 @p0 $0x1  }
0x13: {  	[smem:$0x3FB7] =	sst s0;
	s0 =	simm.s32 @!p1 $0x0  }
0x14: {  	s2 =	sld [smem:$0x3F9B];
	s0 =	simm.s32 @p1 $0x1  }
0x15: {  	[smem:$0x3FB8] =	sst s0;
	s0 =	simm.s32 @!p2 $0x0  }
0x16: {  	s3 =	sld [smem:$0x3FDB];
	s0 =	simm.s32 @p2 $0x1  }
0x17: {  	s4 =	simm.s32 $0x1BF5;
	[smem:$0x3FBA] =	sst s0  }
0x18: {  	s0 =	sld [smem:$0x3F9D];
	_ =	swait.ge [sflag:s4], $0x0  }
0x19: {  	s7 =	sld [smem:$0x3F9E]  }
0x1a: {  	s8 =	sadd.s32 $0xFFFFE003, lr  }
0x1b: {  	s9 =	sadd.s32 $0xFFFFFEF7, lr;
	s5 =	simm.s32 $0xFFFFFFFF;
	p2 =	slt.u32 s8, $0xFFFFF086  }
0x1c: {  	p1 =	slt.u32 s9, $0xF7A;
	s5 =	simm.s32 @!p2 $0x0  }
0x1d: {  	s5 =	simm.s32 @p1 $0x1;
	p0 =	seq.s32 s7, s2  }
0x1e: {  	s7 =	smul.u32 @!p0 $0xF7A, s2;
	p2 =	seq.s32 @!p0 s5, $0x0  }
0x1f: {  	s9 =	smul.u32 $0xF7A, s1;
	s8 =	simm.s32 @!p0 $0x1BF5;
	p2 =	por !p2, p0  }
0x20: {  	[sflag:s8] =	ssyncset.s32 @!p0 $0xFFFFF086;
	s6 =	sadd.s32 @!p0 s3, s7;
	s7 =	simm.s32 @!p0 $0x108  }
0x21: {  	s3 =	sadd.s32 s3, s9;
	s6 =	sadd.s32 @!p0 $0x88, s6;
	s7 =	simm.s32 @p2 $0x1082  }
0x22: {  	[simem:s7], [sflag:s8] =	dma.local @!p0 [hbm:s6], $0xF7A  }
0x23: {  	s9 =	sor.u32 $0xD0000000, s2;
	s6 =	simm.s32 $0x108;
	_ =	swait.ge @!p0 [sflag:s8], $0x0  }
0x24: {  	s3 =	sadd.s32 $0x88, s3;
	s6 =	simm.s32 @!p1 $0x1082;
	[sflag:s4] =	ssyncset.s32 $0xFFFFF086  }
0x25: {  	[simem:s6], [sflag:s4] =	dma.local [hbm:s3], $0xF7A  }
0x26: {  	[smem:$0x3F9E] =	sst s1;
	(tag) =	ssettag s2;
	_ =	strace s9  }
0x27: {  	s1 =	sld [smem:$0x3FAE]  }
0x28: {  	s2 =	sld [smem:$0x3FAF]  }
0x29: {  	s4 =	sld [smem:$0x3FB1]  }
0x2a: {  	p0 =	seq.s32 s5, $0x0;
	s5 =	sld [smem:$0x3FB2]  }
0x2b: {  	s6 =	sld [smem:$0x3FB3]  }
0x2c: {  	s7 =	sld [smem:$0x3FB4]  }
0x2d: {  	s3 =	simm.s32 $0x108;
	s8 =	sld [smem:$0x3FB5]  }
0x2e: {  	s3 =	simm.s32 @!p0 $0x1082;
	s9 =	sld [smem:$0x3FB6]  }
0x2f: {  	lr =	sadd.s32 s0, s3;
	s0 =	sld [smem:$0x3FAD]  }
0x30: {  	s3 =	sld [smem:$0x3FB0]  }
0x31: {  	[smem:$0x3FB9] =	sst s10  }
0x32: {  	s10 =	sld [smem:$0x3FB7];
	_ =	sdelay $0x3  }
0x33: {  	p0 =	seq.s32 s10, $0x1;
	s10 =	sld [smem:$0x3FB9];
	_ =	sdelay $0x3  }
0x34: {  	[smem:$0x3FB9] =	sst s10  }
0x35: {  	s10 =	sld [smem:$0x3FB8];
	_ =	sdelay $0x3  }
0x36: {  	p1 =	seq.s32 s10, $0x1;
	s10 =	sld [smem:$0x3FB9];
	_ =	sdelay $0x3  }
0x37: {  	[smem:$0x3FB9] =	sst s10  }
0x38: {  	s10 =	sld [smem:$0x3FBA]  }
0x39: {  	_ = 	snop;
	(pc) =	sbr.ind lr, $3  }
0x3a: {  	_ = 	snop  }
0x3b: {  	_ = 	snop  }
0x3c: {  	p2 =	seq.s32 s10, $0x1;
	s10 =	sld [smem:$0x3FB9]  }
0x3d: {  	_ =	shalt  }
0x3e: {  	_ =	shalt  }
0x3f: {  	_ =	shalt  }
0x40: {  	_ =	shalt  }
0x41: {  	_ =	shalt  }
0x42: {  	_ =	shalt  }
0x43: {  	_ =	shalt  }
0x44: {  	_ =	shalt  }
0x45: {  	_ =	shalt  }
0x46: {  	_ =	shalt  }
0x47: {  	_ =	shalt  }
0x48: {  	_ =	shalt  }
0x49: {  	_ =	shalt  }
0x4a: {  	_ =	shalt  }
0x4b: {  	_ =	shalt  }
0x4c: {  	_ =	shalt  }
0x4d: {  	_ =	shalt  }
0x4e: {  	_ =	shalt  }
0x4f: {  	_ =	shalt  }
0x50: {  	_ =	shalt  }
0x51: {  	_ =	shalt  }
0x52: {  	_ =	shalt  }
0x53: {  	_ =	shalt  }
0x54: {  	_ =	shalt  }
0x55: {  	_ =	shalt  }
0x56: {  	_ =	shalt  }
0x57: {  	_ =	shalt  }
0x58: {  	_ =	shalt  }
0x59: {  	_ =	shalt  }
0x5a: {  	_ =	shalt  }
0x5b: {  	_ =	shalt  }
0x5c: {  	_ =	shalt  }
0x5d: {  	_ =	shalt  }
0x5e: {  	_ =	shalt  }
0x5f: {  	_ =	shalt  }
0x60: {  	_ =	shalt  }
0x61: {  	_ =	shalt  }
0x62: {  	_ =	shalt  }
0x63: {  	_ =	shalt  }
0x64: {  	_ =	shalt  }
0x65: {  	_ =	shalt  }
0x66: {  	_ =	shalt  }
0x67: {  	_ =	shalt  }
0x68: {  	_ =	shalt  }
0x69: {  	_ =	shalt  }
0x6a: {  	_ =	shalt  }
0x6b: {  	_ =	shalt  }
0x6c: {  	_ =	shalt  }
0x6d: {  	_ =	shalt  }
0x6e: {  	_ =	shalt  }
0x6f: {  	_ =	shalt  }
0x70: {  	_ =	shalt  }
0x71: {  	_ =	shalt  }
0x72: {  	_ =	shalt  }
0x73: {  	_ =	shalt  }
0x74: {  	_ =	shalt  }
0x75: {  	_ =	shalt  }
0x76: {  	_ =	shalt  }
0x77: {  	_ =	shalt  }
0x78: {  	_ =	shalt  }
0x79: {  	_ =	shalt  }
0x7a: {  	_ =	shalt  }
0x7b: {  	_ =	shalt  }
0x7c: {  	_ =	shalt  }
0x7d: {  	_ =	shalt  }
0x7e: {  	_ =	shalt  }
0x7f: {  	_ =	shalt  }
0x80: {  	_ =	shalt  }
0x81: {  	_ =	shalt  }
0x82: {  	_ =	shalt  }
0x83: {  	_ =	shalt  }
0x84: {  	_ =	shalt  }
0x85: {  	_ =	shalt  }
0x86: {  	_ =	shalt  }
0x87: {  	_ =	shalt  }
.Lfunc_end0:
.L_simem_size_0:
called_computation_lowered:
.L_overlay_start_0:
0x88: {  	s2 =	sld [smem:$0x3FD9]  }
0x89: {  	s3 =	sld [smem:$0x3FFE];
	_ =	sdelay $0x1  }
0x8a: {  	s1 =	srdreg.scid  }
0x8b: {  	s0 =	sand.u32 $0x1, s1  }
0x8c: {  	s14 =	sshll.u32 s0, $0xA;
	s2 =	sadd.s32 s3, s2  }
0x8d: {  	s2 =	sadd.s32 s2, s14  }
0x8e: {  	[smem:$0x3FC5] =	sst s2  }
0x8f: {  	_ = 	snop  }
0x90: {  	s2 =	sld [smem:$0x3FD0];
	_ =	sdelay $0x2  }
0x91: {  	s4 =	simm.s32 $0xA;
	s5 =	simm.s32 $0x10;
	s15 =	sld [smem:$0x3FC9]  }
0x92: {  	[smem:s5], [sflag:s4] =	dma.local [hbm:s2], $0x1  }
0x93: {  	_ =	swait.eq [sflag:s4], $0x1  }
0x94: {  	[sflag:s4] =	ssyncset.done $0x0  }
0x95: {  	[sflag:s4] =	ssyncadd.s32 $0xFFFFFFFF  }
0x96: {  	s16 =	sld [smem:$0x11];
	(tm) =	ssettm $0x1  }
0x97: {  	s17 =	sld [smem:$0x3FFB];
	_ =	sdelay $0x3  }
0x98: {  	_ =	strace s17  }
0x99: {  	s4 =	sld [smem:$0x3FFC];
	_ =	sdelay $0x3  }
0x9a: {  	_ =	strace s4  }
0x9b: {  	s4 =	sld [smem:$0x3FFD];
	_ =	sdelay $0x3  }
0x9c: {  	_ =	strace s4  }
0x9d: {  	_ =	strace $0x8FFFFFFF  }
0x9e: {  	s18 =	sld [smem:$0x3FDB];
	_ =	sdelay $0x1  }
0x9f: {  	s19 =	simm.s32 $_scs_section_size  }
0xa0: {  	s6 =	simm.s32 $_size__tile_overlayer_lowered;
	s7 =	simm.s32 $_tile_overlayer_lowered  }
0xa1: {  	s22 =	simm.s32 $0x1BFF;
	s21 =	sshll.u32 s7, $0x1;
	s4 =	sadd.s32 s19, s18  }
0xa2: {  	s8 =	simm.s32 $0x0;
	s20 =	sshll.u32 s6, $0x1;
	s6 =	sadd.s32 s21, s4  }
0xa3: {  	[timem:s8], [sflag:s22] =	dma.local [hbm:s6], s20  }
0xa4: {  	_ =	swait.ge [sflag:s22], s20  }
0xa5: {  	s5 =	ssub.s32 $0x0, s20;
	[sflag:s22] =	ssyncset.done $0x0  }
0xa6: {  	[sflag:s22] =	ssyncadd.s32 s5;
	_ =	sdelay $0x1  }
0xa7: {  	s23 =	simm.s32 $0x1B8B  }
0xa8: {  	_ =	swait.ge [sflag:s23], $0x1  }
0xa9: {  	[sflag:s23] =	ssyncset.done $0x0  }
0xaa: {  	s25 =	simm.s32 $0x1B8E;
	s24 =	sld [smem:$0x3FFE];
	[sflag:s23] =	ssyncadd.s32 $0xFFFFFFFF  }
0xab: {  	s26 =	simm.s32 $execute0_lowered;
	[smem:$0x3FD2] =	sst s25  }
0xac: {  	s6 =	sshll.u32 s26, $0x1;
	_ =	strace $0x80000046;
	[dreg:$0x1] =	wrdreg $0xFFFFFFFF  }
0xad: {  	s28 =	simm.s32 $_size_execute0_lowered;
	s4 =	sadd.s32 s4, s6;
	[dreg:$0x0] =	wrdreg $0x0  }
0xae: {  	s6 =	sshll.u32 s28, $0x1;
	[dreg:$0x2] =	wrdreg s4  }
0xaf: {  	[dreg:$0x3] =	wrdreg s6  }
0xb0: {  	[dreg:$0x4] =	wrdreg $0xC0  }
0xb1: {  	_ =	task [dreg:s8], $0x5FFFF  }
0xb2: {  	[dreg:$0x1] =	wrdreg $0xFFFFFFFF  }
0xb3: {  	[dreg:$0x0] =	wrdreg $0x60  }
0xb4: {  	[dreg:$0x2] =	wrdreg s15  }
0xb5: {  	[dreg:$0x3] =	wrdreg s24  }
0xb6: {  	[dreg:$0x4] =	wrdreg s16  }
0xb7: {  	[dreg:$0x5] =	wrdreg $0x9  }
0xb8: {  	_ =	task.clear_ibuf [dreg:s8], $0x6FFFF;
	_ =	strace $0x90000046  }
0xb9: {  	s29 =	simm.s32 $0x9;
	_ =	strace $0x80000048  }
0xba: {  	_ =	swait.ge [sflag:s29], $0x1  }
0xbb: {  	[sflag:s29] =	ssyncadd.s32 $0xFFFFFFFF  }
0xbc: {  	_ =	strace $0x90000048  }
0xbd: {  	_ =	sfence  }
0xbe: {  	s30 =	sld [smem:$0x0];
	_ =	sdelay $0x2  }
0xbf: {  	s31 =	sshll.u32 s1, $0xD;
	s1 =	sshrl.u32 s1, $0x2  }
0xc0: {  	s3 =	sand.u32 $0x4000, s31;
	s1 =	sadd.s32 s1, s30  }
0xc1: {  	s0 =	sor.u32 s3, s0;
	s1 =	sshll.u32 s1, $0x11  }
0xc2: {  	s0 =	sor.u32 s1, s0  }
0xc3: {  	s0 =	sadd.s32 $0x8F2B, s0  }
0xc4: {  	[sflag:s0] =	ssyncadd.remote.s32 $0x1  }
0xc5: {  	_ =	sfence.sel $0xFFFF  }
0xc6: {  	[dreg:$0x0] =	wrdreg $0xFFFFFFFF;
	(pc) =	sbr.abs _section_cstart, $3  }
0xc7: {  	[dreg:$0x1] =	wrdreg $0xFFFFFFFF  }
0xc8: {  	_ =	task.clear_ibuf [dreg:s8], $0x2FFFF;
	_ =	strace $0x9FFFFFFF  }
0xc9: {  	(tm) =	ssettm $0x7FFFFFFF  }
tec
execute0_lowered:
.L_overlay_start_1:
0x0: {  	(tag) =	ssettag $0x1  }
0x1: {  	s5 =	rddreg [dreg:$0x0]  }
0x2: {  	s6 =	rddreg [dreg:$0x1]  }
0x3: {  	s8 =	rddreg [dreg:$0x2]  }
0x4: {  	s0 =	rddreg [dreg:$0x3];
	s1 =	simm.s32 $0x0  }
0x5: {  	s4 =	srdreg.scid;
	s2 =	stileid.u32;
	s12 =	simm.s32 $0xA00  }
0x6: {  	s13 =	simm.s32 $0x400;
	s14 =	simm.s32 $0xC00;
	s15 =	simm.s32 $0x600  }
0x7: {  	s16 =	simm.s32 $0xE00;
	s17 =	simm.s32 $0x1;
	s18 =	simm.s32 $0x2  }
0x8: {  	s19 =	simm.s32 $0x3;
	s20 =	simm.s32 $0x0;
	[smem:$0x7FF] =	sst s1  }
0x9: {  	s3 =	sadd.s32 $0xA00, s6;
	s4 =	sand.u32 $0x1, s4;
	s7 =	sshll.u32 s2, $0x7  }
0xa: {  	_ =	strace $0x80000047;
	s9 =	sshll.u32 s4, $0x6;
	s10 =	ssub.s32 $0x2, s4  }
0xb: {  	s4 =	sadd.s32 $0x3DC00, s6;
	s9 =	sor.u32 s9, s7;
	s31 =	sshrl.u32 s10, $0x1  }
0xc: {  	s11 =	sadd.s32 s9, s6;
	s10 =	ssub.s32 s10, s31;
	s5 =	sadd.s32 s5, s9  }
0xd: {  	s8 =	sadd.s32 s8, s9;
	s6 =	sadd.s32 $0x5C600, s11;
	s7 =	sadd.s32 $0x5CE00, s11  }
0xe: {  	v0 =	vimm.f32 $1.000000000e+00;
	s9 =	smax.u32 s10, $0x1;
	s10 =	simm.s32 $0x4;
	s11 =	simm.s32 $0x200  }
.LBB2_1:
0xf: {  	[tilespmem:s1], [sflag:$0x4] =	stream.linear.gather [hbm4b:s5+s1], $0x200, $0x38;
	[tilespmem:$0x1000] =	vst v63  }
0x10: {  	_ =	swait.ge [sflag:s10], $0x200  }
0x11: {  	[sflag:s10] =	ssyncset.done $0x0  }
0x12: {  	s22 =	simm.s32 $0x0;
	[sflag:s10] =	ssyncadd.s32 $0xFFFFFE00  }
0x13: {  	v1 =	vld [tilespmem:s22+$0x0];
	_ =	sdelay $0x4  }
0x14: {  	s21 =	simm.s32 $0x10;
	vm0 =	vgt.s32 v1, $0xF423F;
	v2 =	vadd.s32 $0xFFF0BDC0, v1  }
0x15: {  	v2 =	vsel vm0, v2, v1;
	v1 =	vld [tilespmem:s21+$0x0]  }
0x16: {  	v3 =	vshll.u32 v2, $0x1  }
0x17: {  	v4 =	vsel vm0, $0xBF800000, v0;
	[tilespmem:s22+$0x600] =	vst v2;
	v2 =	vand.u32 $0x7F, v2;
	v3 =	vand.u32 $0xFFFFFF00, v3  }
0x18: {  	[tilespmem:s22+$0x800] =	vst v4;
	v2 =	vor.u32 v2, v3  }
0x19: {  	s23 =	simm.s32 $0x80;
	[tilespmem:s22+$0x200] =	vst v2;
	v2 =	vor.u32 $0x80, v2  }
.LBB2_2:
0x1a: {  	s24 =	sshra.s32 s23, $0x2;
	p0 =	sne.s32 s23, $0x7C0;
	s23 =	sadd.s32 $0x40, s23;
	vm0 =	vgt.s32 v1, $0xF423F;
	v3 =	vadd.s32 $0xFFF0BDC0, v1;
	[tilespmem:s22+$0x400] =	vst v2  }
.Ltmp0:
0x1b: {  	s22 =	smov.u32 s21;
	v2 =	vsel vm0, v3, v1;
	v1 =	vld [tilespmem:s24+$0x0];
	v3 =	vsel vm0, $0xBF800000, v0;
	s21 =	smov.u32 s24;
	(pc) =	sbr.rel @p0 .LBB2_2-.Ltmp0, $4  }
0x1c: {  	v4 =	vshll.u32 v2, $0x1;
	[tilespmem:s22+$0x600] =	vst v2  }
0x1d: {  	v2 =	vand.u32 $0x7F, v2;
	v4 =	vand.u32 $0xFFFFFF00, v4;
	[tilespmem:s22+$0x800] =	vst v3  }
0x1e: {  	v2 =	vor.u32 v2, v4  }
0x1f: {  	[tilespmem:s22+$0x200] =	vst v2;
	v2 =	vor.u32 $0x80, v2  }
0x20: {  	vm0 =	vgt.s32 v1, $0xF423F;
	v3 =	vadd.s32 $0xFFF0BDC0, v1  }
0x21: {  	v1 =	vsel vm0, v3, v1  }
0x22: {  	[tilespmem:s22+$0x400] =	vst v2;
	v2 =	vshll.u32 v1, $0x1  }
0x23: {  	v3 =	vsel vm0, $0xBF800000, v0;
	[tilespmem:s21+$0x600] =	vst v1;
	v1 =	vand.u32 $0x7F, v1;
	v2 =	vand.u32 $0xFFFFFF00, v2  }
0x24: {  	[tilespmem:s21+$0x800] =	vst v3;
	v1 =	vor.u32 v1, v2  }
0x25: {  	[tilespmem:s21+$0x200] =	vst v1;
	v1 =	vor.u32 $0x80, v1  }
0x26: {  	[tilespmem:s21+$0x400] =	vst v1  }
0x27: {  	[tilespmem:s12], [sflag:$0x1] =	stream.indirect.gather [hbm4b:s3+s11], $0x1, s11, s11, $0xb8;
	[tilespmem:$0x1000] =	vst v63  }
0x28: {  	_ = 	snop  }
0x29: {  	[tilespmem:s14], [sflag:$0x2] =	stream.indirect.gather [hbm4b:s3+s11], $0x1, s13, s11, $0xb8;
	[tilespmem:$0x1000] =	vst v63  }
0x2a: {  	_ = 	snop  }
0x2b: {  	[tilespmem:s16], [sflag:$0x3] =	stream.indirect.gather [hbm4b:s4+s11], $0x1, s15, s11, $0xb8;
	[tilespmem:$0x1000] =	vst v63  }
0x2c: {  	_ =	swait.ge [sflag:s17], $0x200  }
0x2d: {  	[sflag:s17] =	ssyncset.done $0x0  }
0x2e: {  	s21 =	simm.s32 $0x0;
	[sflag:s17] =	ssyncadd.s32 $0xFFFFFE00  }
0x2f: {  	s22 =	simm.s32 $0x40;
	v1 =	vld [tilespmem:s21+$0x800]  }
.LBB2_4:
0x30: {  	p0 =	sne.s32 s22, $0x7C0;
	v2 =	vld [tilespmem:s21+$0xA00];
	_ =	sdelay $0x2  }
.Ltmp1:
0x31: {  	(pc) =	sbr.rel @p0 .LBB2_4-.Ltmp1, $4  }
0x32: {  	_ = 	snop  }
0x33: {  	v2 =	vmul.f32 v1, v2  }
0x34: {  	s23 =	sshra.s32 s22, $0x2  }
0x35: {  	s22 =	sadd.s32 $0x40, s22;
	v1 =	vld [tilespmem:s23+$0x800];
	[tilespmem:s21+$0xA00] =	vst v2;
	s21 =	smov.u32 s23  }
0x36: {  	v2 =	vld [tilespmem:s21+$0xA00];
	_ =	sdelay $0x4  }
0x37: {  	v1 =	vmul.f32 v1, v2;
	_ =	sdelay $0x1  }
0x38: {  	[tilespmem:s21+$0xA00] =	vst v1  }
0x39: {  	[hbm4b:s6+s1] =	stream.linear.scatter [tilespmem:s12], [sflag:$0x4], $0x200, $0x38;
	[tilespmem:$0x1000] =	vst v63  }
0x3a: {  	_ =	swait.ge [sflag:s10], $0x200  }
0x3b: {  	[sflag:s10] =	ssyncset.done $0x0  }
0x3c: {  	[sflag:s10] =	ssyncadd.s32 $0xFFFFFE00  }
0x3d: {  	_ =	swait.ge [sflag:s18], $0x200  }
0x3e: {  	[sflag:s18] =	ssyncset.done $0x0  }
0x3f: {  	[sflag:s18] =	ssyncadd.s32 $0xFFFFFE00  }
0x40: {  	[hbm4b:s7+s1] =	stream.linear.scatter [tilespmem:s14], [sflag:$0x4], $0x200, $0x38;
	[tilespmem:$0x1000] =	vst v63  }
0x41: {  	_ =	swait.ge [sflag:s10], $0x200  }
0x42: {  	[sflag:s10] =	ssyncset.done $0x0  }
0x43: {  	[sflag:s10] =	ssyncadd.s32 $0xFFFFFE00  }
0x44: {  	s20 =	sadd.s32 $0x1, s20;
	_ =	swait.ge [sflag:s19], $0x200  }
0x45: {  	p0 =	sne.s32 s20, s9;
	[sflag:s19] =	ssyncset.done $0x0  }
.Ltmp2:
0x46: {  	[sflag:s19] =	ssyncadd.s32 $0xFFFFFE00;
	(pc) =	sbr.rel @p0 .LBB2_1-.Ltmp2, $4  }
0x47: {  	[hbm4b:s8+s1] =	stream.linear.scatter [tilespmem:s16], [sflag:$0x4], $0x200, $0x38;
	[tilespmem:$0x1000] =	vst v63  }
0x48: {  	_ =	swait.ge [sflag:s10], $0x200  }
0x49: {  	[sflag:s10] =	ssyncset.done $0x0  }
0x4a: {  	[sflag:s10] =	ssyncadd.s32 $0xFFFFFE00  }
0x4b: {  	_ =	sfence.sel $0x180000  }
0x4c: {  	[bflag:$0x0] =	sbarrier.arrive $0xFFFF  }
0x4d: {  	p0 =	sne.s32 s2, $0x0;
	_ =	strace $0x90000047  }
0x4e: {  	s0 =	sadd.s32 @!p0 $0x100000, s0;
	[bflag:$0x2] =	sbarrier.arrive $0xFFFF  }
0x4f: {  	[sflag:s0] =	ssyncadd.tile.s32 @!p0 $0x1;
	_ =	shalt  }
.Lfunc_end2:
_tile_overlayer_lowered:
.L_overlay_start_2:
0x50: {  	(tag) =	ssettag $0x2  }
0x51: {  	s0 =	rddreg [dreg:$0x0];
	s2 =	stileid.u32  }
0x52: {  	s1 =	rddreg [dreg:$0x1];
	p0 =	sne.s32 s2, $0x0  }
0x53: {  	s3 =	rddreg [dreg:$0x2];
	[bflag:$0x3] =	sbarrier.arrive $0xFFFF;
	s2 =	simm.s32 @!p0 $0x1C04  }
0x54: {  	[timem:s3], [sflag:s2] =	dma.local @!p0 [hbm:s0], s1  }
0x55: {  	s0 =	simm.s32 @!p0 $0x4  }
0x56: {  	_ =	swait.ge @!p0 [sflag:s0], s1  }
0x57: {  	s1 =	ssub.s32 @!p0 $0x0, s1;
	[sflag:s0] =	ssyncset.done @!p0 $0x0  }
0x58: {  	[sflag:s0] =	ssyncadd.s32 @!p0 s1  }
0x59: {  	[bflag:$0x3] =	sbarrier.arrive $0xFFFF  }
0x5a: {  	_ =	shalt  }

</sc_bundles>
